<compile_context>
chip_gen: v7x
topology: tpu7x:2x2x1
jax: 0.10.2.dev20260603
libtpu: 0.0.44.dev20260713+nightly
codegen_flags: <defaults>
</compile_context>

<pallas_src>
import functools

import jax
import jax.numpy as jnp
from jax import lax
from jax.experimental import pallas as pl
from jax.experimental.pallas import tpu as pltpu
from jax.experimental.pallas import tpu_sc as plsc

N_NODES = 10000
N_EDGES = 320000
D = 128

NC = 2
NS = 16
NW = NC * NS

K = 128
CH = 79
EDGES_PER_TILE = K * CH
E_PAD = NW * EDGES_PER_TILE
ACC_ROWS = 10240
ROWS_PER_TILE = ACC_ROWS // NS


def _sc_body(feat_hbm, src_hbm, dst_hbm, zacc_hbm, zdeg_hbm, ones_hbm,
             p_hbm, degp_hbm,
             src_v, dst_v, rows_v, ones_v, acc_sh, deg_sh, sem, dsem):
    cid = lax.axis_index("c")
    sid = lax.axis_index("s")
    wid = cid * NS + sid

    r0 = sid * ROWS_PER_TILE
    pltpu.sync_copy(zacc_hbm.at[pl.ds(r0, ROWS_PER_TILE)],
                    acc_sh.at[pl.ds(r0, ROWS_PER_TILE)])
    pltpu.sync_copy(zdeg_hbm.at[pl.ds(r0, ROWS_PER_TILE)],
                    deg_sh.at[pl.ds(r0, ROWS_PER_TILE)])
    pltpu.sync_copy(src_hbm.at[wid], src_v)
    pltpu.sync_copy(dst_hbm.at[wid], dst_v)
    pltpu.sync_copy(ones_hbm, ones_v)
    plsc.subcore_barrier()

    def chunk(c, carry):
        pltpu.async_copy(feat_hbm.at[src_v.at[c]], rows_v, sem).wait()
        pltpu.sync_copy(rows_v, acc_sh.at[dst_v.at[c]], add=True)
        pltpu.async_copy(ones_v, deg_sh.at[dst_v.at[c]], dsem, add=True)
        return carry

    lax.fori_loop(0, CH, chunk, 0)
    pltpu.make_async_copy(dst_hbm.at[wid], dst_v, dsem).wait()
    plsc.subcore_barrier()

    pltpu.sync_copy(acc_sh.at[pl.ds(r0, ROWS_PER_TILE)],
                    p_hbm.at[cid, pl.ds(r0, ROWS_PER_TILE)])
    pltpu.sync_copy(deg_sh.at[pl.ds(r0, ROWS_PER_TILE)],
                    degp_hbm.at[pl.ds(cid * ACC_ROWS + r0, ROWS_PER_TILE)])


_sc_scatter = functools.partial(
    pl.kernel,
    out_type=(jax.ShapeDtypeStruct((NC, ACC_ROWS, D), jnp.float32),
              jax.ShapeDtypeStruct((NC * ACC_ROWS,), jnp.float32)),
    mesh=plsc.VectorSubcoreMesh(core_axis_name="c", subcore_axis_name="s",
                                num_cores=NC, num_subcores=NS),
    scratch_types=[
        pltpu.VMEM((CH, K), jnp.int32),
        pltpu.VMEM((CH, K), jnp.int32),
        pltpu.VMEM((K, D), jnp.float32),
        pltpu.VMEM((K,), jnp.float32),
        pltpu.VMEM_SHARED((ACC_ROWS, D), jnp.float32),
        pltpu.VMEM_SHARED((ACC_ROWS,), jnp.float32),
        pltpu.SemaphoreType.DMA,
        pltpu.SemaphoreType.DMA,
    ],
)(_sc_body)


def _tc_body(p_ref, deg_ref, feat_ref, w_ref, b_ref, out_ref):
    s = p_ref[0] + p_ref[1]
    d = deg_ref[0] + deg_ref[1]
    mean = s / jnp.maximum(d, 1.0)
    h = jnp.where(d > 0, mean, feat_ref[...])
    y = lax.dot_general(h, w_ref[...], (((1,), (1,)), ((), ())),
                        preferred_element_type=jnp.float32)
    out_ref[...] = jnp.maximum(y + b_ref[...], 0.0)


TC_R = 1280


def _tc_apply(p, degp, featpad, W, b2):
    return pl.pallas_call(
        _tc_body,
        grid=(ACC_ROWS // TC_R,),
        in_specs=[
            pl.BlockSpec((NC, TC_R, D), lambda i: (0, i, 0)),
            pl.BlockSpec((NC, TC_R, 1), lambda i: (0, i, 0)),
            pl.BlockSpec((TC_R, D), lambda i: (i, 0)),
            pl.BlockSpec((D, D), lambda i: (0, 0)),
            pl.BlockSpec((1, D), lambda i: (0, 0)),
        ],
        out_specs=pl.BlockSpec((TC_R, D), lambda i: (i, 0)),
        out_shape=jax.ShapeDtypeStruct((ACC_ROWS, D), jnp.float32),
    )(p, degp, featpad, W, b2)


def kernel(feature, edge_index, W, b):
    pad = E_PAD - N_EDGES
    src = jnp.concatenate([edge_index[0], jnp.zeros((pad,), jnp.int32)])
    dst = jnp.concatenate(
        [edge_index[1], jnp.full((pad,), N_NODES, jnp.int32)])
    src3 = src.reshape(NW, CH, K)
    dst3 = dst.reshape(NW, CH, K)
    zacc = jnp.zeros((ACC_ROWS, D), jnp.float32)
    zdeg = jnp.zeros((ACC_ROWS,), jnp.float32)
    ones_k = jnp.ones((K,), jnp.float32)

    p, degp = _sc_scatter(feature, src3, dst3, zacc, zdeg, ones_k)

    featpad = jnp.concatenate(
        [feature, jnp.zeros((ACC_ROWS - N_NODES, D), jnp.float32)])
    out = _tc_apply(p, degp.reshape(NC, ACC_ROWS, 1), featpad, W,
                    b.reshape(1, D))
    return out[:N_NODES]

# --- scband reference (transcript-rebuilt; emitter-appended) ---
"""Pipeline reference for scband-gcn-9783935500737 (READ-ONLY COPY).

The authoritative reference and input builder live on the scoring server;
editing this copy changes nothing except your own understanding.
"""

import jax, jax.numpy as jnp
import numpy as np

N_NODES = 10000
N_EDGES = 320000
D_IN = 128
D_OUT = 128


def setup_inputs(seed: int = 0) -> dict:
    key = jax.random.key(seed)
    k1, k2, k3, k4 = jax.random.split(key, 4)
    feature = jax.random.normal(k1, (N_NODES, D_IN), dtype=jnp.float32)
    edge_index = jax.random.randint(k2, (2, N_EDGES), 0, N_NODES, dtype=jnp.int32)
    # nn.Linear(in_feats, out_feats) parameters
    bound = 1.0 / np.sqrt(D_IN)
    W = jax.random.uniform(k3, (D_OUT, D_IN), minval=-bound, maxval=bound, dtype=jnp.float32)
    b = jax.random.uniform(k4, (D_OUT,), minval=-bound, maxval=bound, dtype=jnp.float32)
    return {"feature": feature, "edge_index": edge_index, "W": W, "b": b}


def reference(feature, edge_index, W, b):
    # DGL GCN layer: msg = copy_src('h'); reduce = mean over mailbox;
    # apply = ReLU(Linear(h)). Nodes with zero in-degree keep their
    # original feature (update_all only touches nodes with messages).
    src = edge_index[0]
    dst = edge_index[1]
    msgs = jnp.take(feature, src, axis=0)                         # gather (E, D)
    summed = jax.ops.segment_sum(msgs, dst, num_segments=N_NODES)  # scatter-add
    deg = jax.ops.segment_sum(jnp.ones((msgs.shape[0],), dtype=feature.dtype), dst, num_segments=N_NODES)
    mean = summed / jnp.maximum(deg, 1.0)[:, None]
    h = jnp.where(deg[:, None] > 0, mean, feature)
    out = jax.nn.relu(h @ W.T + b)
    return out

if __name__ == "__main__":
    import jax
    _d = setup_inputs()
    print(jax.jit(kernel)(*tuple(_d.values())))

</pallas_src>

<mosaic_0001>
#map = affine_map<(d0, d1) -> (0, 0)>
#map1 = affine_map<(d0, d1) -> (0, 0, 0)>
#map2 = affine_map<(d0, d1) -> (0)>
module attributes {stable_mosaic.version = 14 : i64} {
  func.func @_sc_body(%arg0: i32, %arg1: i32, %arg2: memref<10000x128xf32, #tpu.memory_space<hbm>>, %arg3: memref<32x79x128xi32, #tpu.memory_space<hbm>>, %arg4: memref<32x79x128xi32, #tpu.memory_space<hbm>>, %arg5: memref<10240x128xf32, #tpu.memory_space<hbm>>, %arg6: memref<10240xf32, #tpu.memory_space<hbm>>, %arg7: memref<128xf32, #tpu.memory_space<hbm>>, %arg8: memref<2x10240x128xf32, #tpu.memory_space<hbm>>, %arg9: memref<20480xf32, #tpu.memory_space<hbm>>, %arg10: memref<79x128xi32, #tpu.memory_space<vmem>>, %arg11: memref<79x128xi32, #tpu.memory_space<vmem>>, %arg12: memref<128x128xf32, #tpu.memory_space<vmem>>, %arg13: memref<128xf32, #tpu.memory_space<vmem>>, %arg14: memref<10240x128xf32, #tpu.memory_space<vmem_shared>>, %arg15: memref<10240xf32, #tpu.memory_space<vmem_shared>>, %arg16: memref<!tpu.dma_semaphore, #tpu.memory_space<semaphore_mem>>, %arg17: memref<!tpu.dma_semaphore, #tpu.memory_space<semaphore_mem>>) attributes {dimension_semantics = [#tpu.dimension_semantics<core_parallel>, #tpu.dimension_semantics<subcore_parallel>], iteration_bounds = array<i64: 2, 16>, scalar_prefetch = 0 : i64, scratch_operands = 8 : i64, tpu.core_type = #tpu.core_type<sc_vector_subcore>, window_params = [{transform_indices = #map}, {transform_indices = #map1}, {transform_indices = #map1}, {transform_indices = #map}, {transform_indices = #map2}, {transform_indices = #map2}, {transform_indices = #map1}, {transform_indices = #map2}]} {
    %mul3A = arith.constant 16 : i32
    %mul3A_0 = arith.muli %arg0, %mul3A : i32
    %add3A = arith.addi %mul3A_0, %arg1 : i32
    %mul3A_1 = arith.constant 640 : i32
    %mul3A_2 = arith.muli %arg1, %mul3A_1 : i32
    "tpu.region"() ({
      %run_scoped3A = tpu.sem_alloc : memref<!tpu.dma_semaphore, #tpu.memory_space<semaphore_mem>>
      %dma_start3A = arith.constant 0 : i32
      %dma_start3A_19 = tpu.memref_slice %arg14[%mul3A_2, %dma_start3A] : memref<10240x128xf32, #tpu.memory_space<vmem_shared>> -> memref<640x128xf32, #tpu.memory_space<vmem_shared>>
      %dma_start3A_20 = arith.constant 0 : i32
      %dma_start3A_21 = tpu.memref_slice %arg5[%mul3A_2, %dma_start3A_20] : memref<10240x128xf32, #tpu.memory_space<hbm>> -> memref<640x128xf32, #tpu.memory_space<hbm>>
      tpu.enqueue_dma source(%dma_start3A_21 : memref<640x128xf32, #tpu.memory_space<hbm>>) target(%dma_start3A_19 : memref<640x128xf32, #tpu.memory_space<vmem_shared>>) target_semaphore(%run_scoped3A : memref<!tpu.dma_semaphore, #tpu.memory_space<semaphore_mem>>)
      %dma_wait3A_22 = arith.constant 0 : i32
      %dma_wait3A_23 = tpu.memref_slice %arg14[%mul3A_2, %dma_wait3A_22] : memref<10240x128xf32, #tpu.memory_space<vmem_shared>> -> memref<640x128xf32, #tpu.memory_space<vmem_shared>>
      %dma_wait3A_24 = arith.constant 0 : i32
      %dma_wait3A_25 = tpu.memref_slice %arg5[%mul3A_2, %dma_wait3A_24] : memref<10240x128xf32, #tpu.memory_space<hbm>> -> memref<640x128xf32, #tpu.memory_space<hbm>>
      tpu.wait_dma2 semaphore(%run_scoped3A : memref<!tpu.dma_semaphore, #tpu.memory_space<semaphore_mem>>) src(%dma_wait3A_25 : memref<640x128xf32, #tpu.memory_space<hbm>>) dst(%dma_wait3A_23 : memref<640x128xf32, #tpu.memory_space<vmem_shared>>)
      tpu.yield
    }) : () -> ()
    "tpu.region"() ({
      %run_scoped3A = tpu.sem_alloc : memref<!tpu.dma_semaphore, #tpu.memory_space<semaphore_mem>>
      %dma_start3A = tpu.memref_slice %arg15[%mul3A_2] : memref<10240xf32, #tpu.memory_space<vmem_shared>> -> memref<640xf32, #tpu.memory_space<vmem_shared>>
      %dma_start3A_19 = tpu.memref_slice %arg6[%mul3A_2] : memref<10240xf32, #tpu.memory_space<hbm>> -> memref<640xf32, #tpu.memory_space<hbm>>
      tpu.enqueue_dma source(%dma_start3A_19 : memref<640xf32, #tpu.memory_space<hbm>>) target(%dma_start3A : memref<640xf32, #tpu.memory_space<vmem_shared>>) target_semaphore(%run_scoped3A : memref<!tpu.dma_semaphore, #tpu.memory_space<semaphore_mem>>)
      %dma_wait3A_20 = tpu.memref_slice %arg15[%mul3A_2] : memref<10240xf32, #tpu.memory_space<vmem_shared>> -> memref<640xf32, #tpu.memory_space<vmem_shared>>
      %dma_wait3A_21 = tpu.memref_slice %arg6[%mul3A_2] : memref<10240xf32, #tpu.memory_space<hbm>> -> memref<640xf32, #tpu.memory_space<hbm>>
      tpu.wait_dma2 semaphore(%run_scoped3A : memref<!tpu.dma_semaphore, #tpu.memory_space<semaphore_mem>>) src(%dma_wait3A_21 : memref<640xf32, #tpu.memory_space<hbm>>) dst(%dma_wait3A_20 : memref<640xf32, #tpu.memory_space<vmem_shared>>)
      tpu.yield
    }) : () -> ()
    "tpu.region"() ({
      %run_scoped3A = tpu.sem_alloc : memref<!tpu.dma_semaphore, #tpu.memory_space<semaphore_mem>>
      %dma_start3A = arith.constant 0 : i32
      %dma_start3A_19 = arith.constant 0 : i32
      %dma_start3A_20 = tpu.memref_slice %arg3[%add3A, %dma_start3A, %dma_start3A_19] : memref<32x79x128xi32, #tpu.memory_space<hbm>> -> memref<1x79x128xi32, #tpu.memory_space<hbm>>
      %dma_start3A_21 = tpu.memref_squeeze %dma_start3A_20 : memref<1x79x128xi32, #tpu.memory_space<hbm>> -> memref<79x128xi32, #tpu.memory_space<hbm>>
      %dma_start3A_22 = arith.constant 0 : i32
      %dma_start3A_23 = arith.constant 0 : i32
      %dma_start3A_24 = tpu.memref_slice %arg3[%add3A, %dma_start3A_22, %dma_start3A_23] : memref<32x79x128xi32, #tpu.memory_space<hbm>> -> memref<1x79x128xi32, #tpu.memory_space<hbm>>
      %dma_start3A_25 = tpu.memref_squeeze %dma_start3A_24 : memref<1x79x128xi32, #tpu.memory_space<hbm>> -> memref<79x128xi32, #tpu.memory_space<hbm>>
      tpu.enqueue_dma source(%dma_start3A_25 : memref<79x128xi32, #tpu.memory_space<hbm>>) target(%arg10 : memref<79x128xi32, #tpu.memory_space<vmem>>) target_semaphore(%run_scoped3A : memref<!tpu.dma_semaphore, #tpu.memory_space<semaphore_mem>>)
      %dma_wait3A_26 = arith.constant 0 : i32
      %dma_wait3A_27 = arith.constant 0 : i32
      %dma_wait3A_28 = tpu.memref_slice %arg3[%add3A, %dma_wait3A_26, %dma_wait3A_27] : memref<32x79x128xi32, #tpu.memory_space<hbm>> -> memref<1x79x128xi32, #tpu.memory_space<hbm>>
      %dma_wait3A_29 = tpu.memref_squeeze %dma_wait3A_28 : memref<1x79x128xi32, #tpu.memory_space<hbm>> -> memref<79x128xi32, #tpu.memory_space<hbm>>
      %dma_wait3A_30 = arith.constant 0 : i32
      %dma_wait3A_31 = arith.constant 0 : i32
      %dma_wait3A_32 = tpu.memref_slice %arg3[%add3A, %dma_wait3A_30, %dma_wait3A_31] : memref<32x79x128xi32, #tpu.memory_space<hbm>> -> memref<1x79x128xi32, #tpu.memory_space<hbm>>
      %dma_wait3A_33 = tpu.memref_squeeze %dma_wait3A_32 : memref<1x79x128xi32, #tpu.memory_space<hbm>> -> memref<79x128xi32, #tpu.memory_space<hbm>>
      tpu.wait_dma2 semaphore(%run_scoped3A : memref<!tpu.dma_semaphore, #tpu.memory_space<semaphore_mem>>) src(%dma_wait3A_33 : memref<79x128xi32, #tpu.memory_space<hbm>>) dst(%arg10 : memref<79x128xi32, #tpu.memory_space<vmem>>)
      tpu.yield
    }) : () -> ()
    "tpu.region"() ({
      %run_scoped3A = tpu.sem_alloc : memref<!tpu.dma_semaphore, #tpu.memory_space<semaphore_mem>>
      %dma_start3A = arith.constant 0 : i32
      %dma_start3A_19 = arith.constant 0 : i32
      %dma_start3A_20 = tpu.memref_slice %arg4[%add3A, %dma_start3A, %dma_start3A_19] : memref<32x79x128xi32, #tpu.memory_space<hbm>> -> memref<1x79x128xi32, #tpu.memory_space<hbm>>
      %dma_start3A_21 = tpu.memref_squeeze %dma_start3A_20 : memref<1x79x128xi32, #tpu.memory_space<hbm>> -> memref<79x128xi32, #tpu.memory_space<hbm>>
      %dma_start3A_22 = arith.constant 0 : i32
      %dma_start3A_23 = arith.constant 0 : i32
      %dma_start3A_24 = tpu.memref_slice %arg4[%add3A, %dma_start3A_22, %dma_start3A_23] : memref<32x79x128xi32, #tpu.memory_space<hbm>> -> memref<1x79x128xi32, #tpu.memory_space<hbm>>
      %dma_start3A_25 = tpu.memref_squeeze %dma_start3A_24 : memref<1x79x128xi32, #tpu.memory_space<hbm>> -> memref<79x128xi32, #tpu.memory_space<hbm>>
      tpu.enqueue_dma source(%dma_start3A_25 : memref<79x128xi32, #tpu.memory_space<hbm>>) target(%arg11 : memref<79x128xi32, #tpu.memory_space<vmem>>) target_semaphore(%run_scoped3A : memref<!tpu.dma_semaphore, #tpu.memory_space<semaphore_mem>>)
      %dma_wait3A_26 = arith.constant 0 : i32
      %dma_wait3A_27 = arith.constant 0 : i32
      %dma_wait3A_28 = tpu.memref_slice %arg4[%add3A, %dma_wait3A_26, %dma_wait3A_27] : memref<32x79x128xi32, #tpu.memory_space<hbm>> -> memref<1x79x128xi32, #tpu.memory_space<hbm>>
      %dma_wait3A_29 = tpu.memref_squeeze %dma_wait3A_28 : memref<1x79x128xi32, #tpu.memory_space<hbm>> -> memref<79x128xi32, #tpu.memory_space<hbm>>
      %dma_wait3A_30 = arith.constant 0 : i32
      %dma_wait3A_31 = arith.constant 0 : i32
      %dma_wait3A_32 = tpu.memref_slice %arg4[%add3A, %dma_wait3A_30, %dma_wait3A_31] : memref<32x79x128xi32, #tpu.memory_space<hbm>> -> memref<1x79x128xi32, #tpu.memory_space<hbm>>
      %dma_wait3A_33 = tpu.memref_squeeze %dma_wait3A_32 : memref<1x79x128xi32, #tpu.memory_space<hbm>> -> memref<79x128xi32, #tpu.memory_space<hbm>>
      tpu.wait_dma2 semaphore(%run_scoped3A : memref<!tpu.dma_semaphore, #tpu.memory_space<semaphore_mem>>) src(%dma_wait3A_33 : memref<79x128xi32, #tpu.memory_space<hbm>>) dst(%arg11 : memref<79x128xi32, #tpu.memory_space<vmem>>)
      tpu.yield
    }) : () -> ()
    "tpu.region"() ({
      %run_scoped3A = tpu.sem_alloc : memref<!tpu.dma_semaphore, #tpu.memory_space<semaphore_mem>>
      tpu.enqueue_dma source(%arg7 : memref<128xf32, #tpu.memory_space<hbm>>) target(%arg13 : memref<128xf32, #tpu.memory_space<vmem>>) target_semaphore(%run_scoped3A : memref<!tpu.dma_semaphore, #tpu.memory_space<semaphore_mem>>)
      tpu.wait_dma2 semaphore(%run_scoped3A : memref<!tpu.dma_semaphore, #tpu.memory_space<semaphore_mem>>) src(%arg7 : memref<128xf32, #tpu.memory_space<hbm>>) dst(%arg13 : memref<128xf32, #tpu.memory_space<vmem>>)
      tpu.yield
    }) : () -> ()
    %barrier3A = arith.constant 0 : index
    tpu.barrier barrier_id(%barrier3A)
    %scan3A = arith.constant 0 : i32
    %scan3A_3 = arith.constant 0 : i32
    %scan3A_4 = arith.constant 79 : i32
    %scan3A_5 = arith.addi %scan3A_3, %scan3A_4 : i32
    %scan3A_6 = arith.constant 1 : i32
    scf.for %scan3A_19 = %scan3A_3 to %scan3A_5 step %scan3A_6  : i32 {
      %dma_start3A = arith.constant 0 : i32
      %dma_start3A_20 = tpu.memref_slice %arg10[%scan3A_19, %dma_start3A] : memref<79x128xi32, #tpu.memory_space<vmem>> -> memref<1x128xi32, #tpu.memory_space<vmem>>
      %dma_start3A_21 = tpu.memref_squeeze %dma_start3A_20 : memref<1x128xi32, #tpu.memory_space<vmem>> -> memref<128xi32, #tpu.memory_space<vmem>>
      %dma_start3A_22 = arith.constant 0 : i32
      %dma_start3A_23 = arith.constant 0 : i32
      %dma_start3A_24 = tpu.memref_slice %arg2[%dma_start3A_22, %dma_start3A_23] : memref<10000x128xf32, #tpu.memory_space<hbm>> -> memref<10000x128xf32, #tpu.memory_space<hbm>>
      tpu.enqueue_indirect_dma source(%dma_start3A_24 : memref<10000x128xf32, #tpu.memory_space<hbm>>) target(%arg12 : memref<128x128xf32, #tpu.memory_space<vmem>>) offsets(%dma_start3A_21 : memref<128xi32, #tpu.memory_space<vmem>>) semaphore(%arg16 : memref<!tpu.dma_semaphore, #tpu.memory_space<semaphore_mem>>)
      %dma_wait3A_25 = arith.constant 0 : i32
      %dma_wait3A_26 = tpu.memref_slice %arg10[%scan3A_19, %dma_wait3A_25] : memref<79x128xi32, #tpu.memory_space<vmem>> -> memref<1x128xi32, #tpu.memory_space<vmem>>
      %dma_wait3A_27 = tpu.memref_squeeze %dma_wait3A_26 : memref<1x128xi32, #tpu.memory_space<vmem>> -> memref<128xi32, #tpu.memory_space<vmem>>
      %dma_wait3A_28 = arith.constant 0 : i32
      %dma_wait3A_29 = arith.constant 0 : i32
      %dma_wait3A_30 = tpu.memref_slice %arg2[%dma_wait3A_28, %dma_wait3A_29] : memref<10000x128xf32, #tpu.memory_space<hbm>> -> memref<10000x128xf32, #tpu.memory_space<hbm>>
      tpu.wait_indirect_dma semaphore(%arg16 : memref<!tpu.dma_semaphore, #tpu.memory_space<semaphore_mem>>) src(%dma_wait3A_30 : memref<10000x128xf32, #tpu.memory_space<hbm>>) dst(%arg12 : memref<128x128xf32, #tpu.memory_space<vmem>>)
      "tpu.region"() ({
        %run_scoped3A = tpu.sem_alloc : memref<!tpu.dma_semaphore, #tpu.memory_space<semaphore_mem>>
        %dma_start3A_36 = arith.constant 0 : i32
        %dma_start3A_37 = tpu.memref_slice %arg11[%scan3A_19, %dma_start3A_36] : memref<79x128xi32, #tpu.memory_space<vmem>> -> memref<1x128xi32, #tpu.memory_space<vmem>>
        %dma_start3A_38 = tpu.memref_squeeze %dma_start3A_37 : memref<1x128xi32, #tpu.memory_space<vmem>> -> memref<128xi32, #tpu.memory_space<vmem>>
        %dma_start3A_39 = arith.constant 0 : i32
        %dma_start3A_40 = arith.constant 0 : i32
        %dma_start3A_41 = tpu.memref_slice %arg14[%dma_start3A_39, %dma_start3A_40] : memref<10240x128xf32, #tpu.memory_space<vmem_shared>> -> memref<10240x128xf32, #tpu.memory_space<vmem_shared>>
        tpu.enqueue_indirect_dma source(%arg12 : memref<128x128xf32, #tpu.memory_space<vmem>>) target(%dma_start3A_41 : memref<10240x128xf32, #tpu.memory_space<vmem_shared>>) offsets(%dma_start3A_38 : memref<128xi32, #tpu.memory_space<vmem>>) semaphore(%run_scoped3A : memref<!tpu.dma_semaphore, #tpu.memory_space<semaphore_mem>>) {add = true}
        %dma_wait3A_42 = arith.constant 0 : i32
        %dma_wait3A_43 = tpu.memref_slice %arg11[%scan3A_19, %dma_wait3A_42] : memref<79x128xi32, #tpu.memory_space<vmem>> -> memref<1x128xi32, #tpu.memory_space<vmem>>
        %dma_wait3A_44 = tpu.memref_squeeze %dma_wait3A_43 : memref<1x128xi32, #tpu.memory_space<vmem>> -> memref<128xi32, #tpu.memory_space<vmem>>
        %dma_wait3A_45 = arith.constant 0 : i32
        %dma_wait3A_46 = arith.constant 0 : i32
        %dma_wait3A_47 = tpu.memref_slice %arg14[%dma_wait3A_45, %dma_wait3A_46] : memref<10240x128xf32, #tpu.memory_space<vmem_shared>> -> memref<10240x128xf32, #tpu.memory_space<vmem_shared>>
        tpu.wait_indirect_dma semaphore(%run_scoped3A : memref<!tpu.dma_semaphore, #tpu.memory_space<semaphore_mem>>) src(%arg12 : memref<128x128xf32, #tpu.memory_space<vmem>>) dst(%dma_wait3A_47 : memref<10240x128xf32, #tpu.memory_space<vmem_shared>>)
        tpu.yield
      }) : () -> ()
      %dma_start3A_31 = arith.constant 0 : i32
      %dma_start3A_32 = tpu.memref_slice %arg11[%scan3A_19, %dma_start3A_31] : memref<79x128xi32, #tpu.memory_space<vmem>> -> memref<1x128xi32, #tpu.memory_space<vmem>>
      %dma_start3A_33 = tpu.memref_squeeze %dma_start3A_32 : memref<1x128xi32, #tpu.memory_space<vmem>> -> memref<128xi32, #tpu.memory_space<vmem>>
      %dma_start3A_34 = arith.constant 0 : i32
      %dma_start3A_35 = tpu.memref_slice %arg15[%dma_start3A_34] : memref<10240xf32, #tpu.memory_space<vmem_shared>> -> memref<10240xf32, #tpu.memory_space<vmem_shared>>
      tpu.enqueue_indirect_dma source(%arg13 : memref<128xf32, #tpu.memory_space<vmem>>) target(%dma_start3A_35 : memref<10240xf32, #tpu.memory_space<vmem_shared>>) offsets(%dma_start3A_33 : memref<128xi32, #tpu.memory_space<vmem>>) semaphore(%arg17 : memref<!tpu.dma_semaphore, #tpu.memory_space<semaphore_mem>>) {add = true}
    }
    %scan3A_7 = arith.constant 79 : i32
    %dma_wait3A = arith.constant 0 : i32
    %dma_wait3A_8 = arith.constant 0 : i32
    %dma_wait3A_9 = tpu.memref_slice %arg4[%add3A, %dma_wait3A, %dma_wait3A_8] : memref<32x79x128xi32, #tpu.memory_space<hbm>> -> memref<1x79x128xi32, #tpu.memory_space<hbm>>
    %dma_wait3A_10 = tpu.memref_squeeze %dma_wait3A_9 : memref<1x79x128xi32, #tpu.memory_space<hbm>> -> memref<79x128xi32, #tpu.memory_space<hbm>>
    %dma_wait3A_11 = arith.constant 0 : i32
    %dma_wait3A_12 = arith.constant 0 : i32
    %dma_wait3A_13 = tpu.memref_slice %arg4[%add3A, %dma_wait3A_11, %dma_wait3A_12] : memref<32x79x128xi32, #tpu.memory_space<hbm>> -> memref<1x79x128xi32, #tpu.memory_space<hbm>>
    %dma_wait3A_14 = tpu.memref_squeeze %dma_wait3A_13 : memref<1x79x128xi32, #tpu.memory_space<hbm>> -> memref<79x128xi32, #tpu.memory_space<hbm>>
    tpu.wait_dma2 semaphore(%arg17 : memref<!tpu.dma_semaphore, #tpu.memory_space<semaphore_mem>>) src(%dma_wait3A_14 : memref<79x128xi32, #tpu.memory_space<hbm>>) dst(%arg11 : memref<79x128xi32, #tpu.memory_space<vmem>>)
    %barrier3A_15 = arith.constant 0 : index
    tpu.barrier barrier_id(%barrier3A_15)
    "tpu.region"() ({
      %run_scoped3A = tpu.sem_alloc : memref<!tpu.dma_semaphore, #tpu.memory_space<semaphore_mem>>
      %dma_start3A = arith.constant 0 : i32
      %dma_start3A_19 = tpu.memref_slice %arg8[%arg0, %mul3A_2, %dma_start3A] : memref<2x10240x128xf32, #tpu.memory_space<hbm>> -> memref<1x640x128xf32, #tpu.memory_space<hbm>>
      %dma_start3A_20 = tpu.memref_squeeze %dma_start3A_19 : memref<1x640x128xf32, #tpu.memory_space<hbm>> -> memref<640x128xf32, #tpu.memory_space<hbm>>
      %dma_start3A_21 = arith.constant 0 : i32
      %dma_start3A_22 = tpu.memref_slice %arg14[%mul3A_2, %dma_start3A_21] : memref<10240x128xf32, #tpu.memory_space<vmem_shared>> -> memref<640x128xf32, #tpu.memory_space<vmem_shared>>
      tpu.enqueue_dma source(%dma_start3A_22 : memref<640x128xf32, #tpu.memory_space<vmem_shared>>) target(%dma_start3A_20 : memref<640x128xf32, #tpu.memory_space<hbm>>) target_semaphore(%run_scoped3A : memref<!tpu.dma_semaphore, #tpu.memory_space<semaphore_mem>>)
      %dma_wait3A_23 = arith.constant 0 : i32
      %dma_wait3A_24 = tpu.memref_slice %arg8[%arg0, %mul3A_2, %dma_wait3A_23] : memref<2x10240x128xf32, #tpu.memory_space<hbm>> -> memref<1x640x128xf32, #tpu.memory_space<hbm>>
      %dma_wait3A_25 = tpu.memref_squeeze %dma_wait3A_24 : memref<1x640x128xf32, #tpu.memory_space<hbm>> -> memref<640x128xf32, #tpu.memory_space<hbm>>
      %dma_wait3A_26 = arith.constant 0 : i32
      %dma_wait3A_27 = tpu.memref_slice %arg14[%mul3A_2, %dma_wait3A_26] : memref<10240x128xf32, #tpu.memory_space<vmem_shared>> -> memref<640x128xf32, #tpu.memory_space<vmem_shared>>
      tpu.wait_dma2 semaphore(%run_scoped3A : memref<!tpu.dma_semaphore, #tpu.memory_space<semaphore_mem>>) src(%dma_wait3A_27 : memref<640x128xf32, #tpu.memory_space<vmem_shared>>) dst(%dma_wait3A_25 : memref<640x128xf32, #tpu.memory_space<hbm>>)
      tpu.yield
    }) : () -> ()
    %mul3A_16 = arith.constant 10240 : i32
    %mul3A_17 = arith.muli %arg0, %mul3A_16 : i32
    %add3A_18 = arith.addi %mul3A_17, %mul3A_2 : i32
    "tpu.region"() ({
      %run_scoped3A = tpu.sem_alloc : memref<!tpu.dma_semaphore, #tpu.memory_space<semaphore_mem>>
      %dma_start3A = tpu.memref_slice %arg9[%add3A_18] : memref<20480xf32, #tpu.memory_space<hbm>> -> memref<640xf32, #tpu.memory_space<hbm>>
      %dma_start3A_19 = tpu.memref_slice %arg15[%mul3A_2] : memref<10240xf32, #tpu.memory_space<vmem_shared>> -> memref<640xf32, #tpu.memory_space<vmem_shared>>
      tpu.enqueue_dma source(%dma_start3A_19 : memref<640xf32, #tpu.memory_space<vmem_shared>>) target(%dma_start3A : memref<640xf32, #tpu.memory_space<hbm>>) target_semaphore(%run_scoped3A : memref<!tpu.dma_semaphore, #tpu.memory_space<semaphore_mem>>)
      %dma_wait3A_20 = tpu.memref_slice %arg9[%add3A_18] : memref<20480xf32, #tpu.memory_space<hbm>> -> memref<640xf32, #tpu.memory_space<hbm>>
      %dma_wait3A_21 = tpu.memref_slice %arg15[%mul3A_2] : memref<10240xf32, #tpu.memory_space<vmem_shared>> -> memref<640xf32, #tpu.memory_space<vmem_shared>>
      tpu.wait_dma2 semaphore(%run_scoped3A : memref<!tpu.dma_semaphore, #tpu.memory_space<semaphore_mem>>) src(%dma_wait3A_21 : memref<640xf32, #tpu.memory_space<vmem_shared>>) dst(%dma_wait3A_20 : memref<640xf32, #tpu.memory_space<hbm>>)
      tpu.yield
    }) : () -> ()
    return
  }
}

module attributes {stable_mosaic.version = 14 : i64} {
  func.func @_tc_body(%arg0: i32, %arg1: memref<2x1280x128xf32, #tpu.memory_space<vmem>>, %arg2: memref<2x1280x1xf32, #tpu.memory_space<vmem>>, %arg3: memref<1280x128xf32, #tpu.memory_space<vmem>>, %arg4: memref<128x128xf32, #tpu.memory_space<vmem>>, %arg5: memref<1x128xf32, #tpu.memory_space<vmem>>, %arg6: memref<1280x128xf32, #tpu.memory_space<vmem>>) attributes {dimension_semantics = [#tpu.dimension_semantics<arbitrary>], iteration_bounds = array<i64: 8>, scalar_prefetch = 0 : i64, scratch_operands = 0 : i64, tpu.core_type = #tpu.core_type<tc>, window_params = [{transform_indices = @transform_0, window_bounds = array<i64: 2, 1280, 128>}, {transform_indices = @transform_1, window_bounds = array<i64: 2, 1280, 1>}, {transform_indices = @transform_2, window_bounds = array<i64: 1280, 128>}, {pipeline_mode = #tpu.pipeline_mode<synchronous>, transform_indices = @transform_3, window_bounds = array<i64: 128, 128>}, {pipeline_mode = #tpu.pipeline_mode<synchronous>, transform_indices = @transform_4, window_bounds = array<i64: 1, 128>}, {transform_indices = @transform_5, window_bounds = array<i64: 1280, 128>}]} {
    %get3A = arith.constant 0 : index
    %get3A_0 = arith.constant 0 : index
    %get3A_1 = arith.constant 0 : index
    %get3A_2 = vector.load %arg1[%get3A, %get3A_0, %get3A_1] : memref<2x1280x128xf32, #tpu.memory_space<vmem>>, vector<1x1280x128xf32>
    %get3A_3 = vector.shape_cast %get3A_2 : vector<1x1280x128xf32> to vector<1280x128xf32>
    %get3A_4 = arith.constant 1 : index
    %get3A_5 = arith.constant 0 : index
    %get3A_6 = arith.constant 0 : index
    %get3A_7 = vector.load %arg1[%get3A_4, %get3A_5, %get3A_6] : memref<2x1280x128xf32, #tpu.memory_space<vmem>>, vector<1x1280x128xf32>
    %get3A_8 = vector.shape_cast %get3A_7 : vector<1x1280x128xf32> to vector<1280x128xf32>
    %add3A = arith.addf %get3A_3, %get3A_8 : vector<1280x128xf32>
    %get3A_9 = arith.constant 0 : index
    %get3A_10 = arith.constant 0 : index
    %get3A_11 = arith.constant 0 : index
    %get3A_12 = vector.load %arg2[%get3A_9, %get3A_10, %get3A_11] : memref<2x1280x1xf32, #tpu.memory_space<vmem>>, vector<1x1280x1xf32>
    %get3A_13 = vector.shape_cast %get3A_12 : vector<1x1280x1xf32> to vector<1280x1xf32>
    %get3A_14 = arith.constant 1 : index
    %get3A_15 = arith.constant 0 : index
    %get3A_16 = arith.constant 0 : index
    %get3A_17 = vector.load %arg2[%get3A_14, %get3A_15, %get3A_16] : memref<2x1280x1xf32, #tpu.memory_space<vmem>>, vector<1x1280x1xf32>
    %get3A_18 = vector.shape_cast %get3A_17 : vector<1x1280x1xf32> to vector<1280x1xf32>
    %add3A_19 = arith.addf %get3A_13, %get3A_18 : vector<1280x1xf32>
    %max3A = arith.constant 1.000000e+00 : f32
    %max3A_20 = vector.broadcast %max3A : f32 to vector<1280x1xf32>
    %max3A_21 = arith.maximumf %add3A_19, %max3A_20 : vector<1280x1xf32>
    %div3A = vector.broadcast %max3A_21 : vector<1280x1xf32> to vector<1280x128xf32>
    %div3A_22 = arith.divf %add3A, %div3A : vector<1280x128xf32>
    %gt3A = arith.constant 0.000000e+00 : f32
    %gt3A_23 = vector.broadcast %gt3A : f32 to vector<1280x1xf32>
    %gt3A_24 = arith.cmpf ogt, %add3A_19, %gt3A_23 : vector<1280x1xf32>
    %get3A_25 = arith.constant 0 : index
    %get3A_26 = arith.constant 0 : index
    %get3A_27 = vector.load %arg3[%get3A_25, %get3A_26] : memref<1280x128xf32, #tpu.memory_space<vmem>>, vector<1280x128xf32>
    %broadcast_in_dim3A = vector.shape_cast %gt3A_24 : vector<1280x1xi1> to vector<1280x1xi1>
    %broadcast_in_dim3A_28 = vector.broadcast %broadcast_in_dim3A : vector<1280x1xi1> to vector<1280x128xi1>
    %select_n3A = arith.select %broadcast_in_dim3A_28, %div3A_22, %get3A_27 : vector<1280x128xi1>, vector<1280x128xf32>
    %get3A_29 = arith.constant 0 : index
    %get3A_30 = arith.constant 0 : index
    %get3A_31 = vector.load %arg4[%get3A_29, %get3A_30] : memref<128x128xf32, #tpu.memory_space<vmem>>, vector<128x128xf32>
    %dot_general3A = arith.constant dense<0.000000e+00> : vector<1280x128xf32>
    %dot_general3A_32 = tpu.matmul %select_n3A, %get3A_31, %dot_general3A {dimension_numbers = #tpu.dot_dimension_numbers<[1], [1], [0], [0], [0, 0, 1, 0], [], []>, transpose_lhs_hint = false} : vector<1280x128xf32>, vector<128x128xf32>, vector<1280x128xf32> -> vector<1280x128xf32>
    %get3A_33 = arith.constant 0 : index
    %get3A_34 = arith.constant 0 : index
    %get3A_35 = vector.load %arg5[%get3A_33, %get3A_34] : memref<1x128xf32, #tpu.memory_space<vmem>>, vector<1x128xf32>
    %add3A_36 = vector.broadcast %get3A_35 : vector<1x128xf32> to vector<1280x128xf32>
    %add3A_37 = arith.addf %dot_general3A_32, %add3A_36 : vector<1280x128xf32>
    %max3A_38 = arith.constant 0.000000e+00 : f32
    %max3A_39 = vector.broadcast %max3A_38 : f32 to vector<1280x128xf32>
    %max3A_40 = arith.maximumf %add3A_37, %max3A_39 : vector<1280x128xf32>
    %swap3A = arith.constant 0 : index
    %swap3A_41 = arith.constant 0 : index
    %swap3A_42 = vector.load %arg6[%swap3A, %swap3A_41] : memref<1280x128xf32, #tpu.memory_space<vmem>>, vector<1280x128xf32>
    tpu.vector_store %arg6[%swap3A, %swap3A_41], %max3A_40 {strides = array<i32>} : memref<1280x128xf32, #tpu.memory_space<vmem>>, vector<1280x128xf32>,
    return
  }
  func.func @transform_0(%arg0: i32) -> (i32, i32, i32) {
    %c0_i32 = arith.constant 0 : i32
    %c0_i32_0 = arith.constant 0 : i32
    %c0_i32_1 = arith.constant 0 : i32
    return %c0_i32, %arg0, %c0_i32_0 : i32, i32, i32
  }
  func.func @transform_1(%arg0: i32) -> (i32, i32, i32) {
    %c0_i32 = arith.constant 0 : i32
    %c0_i32_0 = arith.constant 0 : i32
    %c0_i32_1 = arith.constant 0 : i32
    return %c0_i32, %arg0, %c0_i32_0 : i32, i32, i32
  }
  func.func @transform_2(%arg0: i32) -> (i32, i32) {
    %c0_i32 = arith.constant 0 : i32
    %c0_i32_0 = arith.constant 0 : i32
    return %arg0, %c0_i32 : i32, i32
  }
  func.func @transform_3(%arg0: i32) -> (i32, i32) {
    %c0_i32 = arith.constant 0 : i32
    %c0_i32_0 = arith.constant 0 : i32
    %c0_i32_1 = arith.constant 0 : i32
    return %c0_i32, %c0_i32_0 : i32, i32
  }
  func.func @transform_4(%arg0: i32) -> (i32, i32) {
    %c0_i32 = arith.constant 0 : i32
    %c0_i32_0 = arith.constant 0 : i32
    %c0_i32_1 = arith.constant 0 : i32
    return %c0_i32, %c0_i32_0 : i32, i32
  }
  func.func @transform_5(%arg0: i32) -> (i32, i32) {
    %c0_i32 = arith.constant 0 : i32
    %c0_i32_0 = arith.constant 0 : i32
    return %arg0, %c0_i32 : i32, i32
  }
}

</mosaic_0001>

<sc_bundles>
// kernel: kernel.4.cloned.1.call-start
scs
__scs_entry_jumppad:
0x0: {  	(pc) =	sbr.rel $0x88, $3  }
0x1: {  	(tag) =	ssettag $0x0;
	lr =	simm.s32 $0x1  }
0x2: {  	[smem:$0x3F9D] =	sst lr;
	_ =	strace $0xD0000000  }
0x3: {  	_ = 	snop  }
0x4: {  	_ = 	snop  }
0x5: {  	_ = 	snop  }
0x6: {  	_ = 	snop  }
0x7: {  	_ = 	snop  }
__scs_overlays_trampoline_lowered:
0x8: {  	[smem:$0x3FAC] =	sst s0  }
0x9: {  	[smem:$0x3FAD] =	sst s1  }
0xa: {  	[smem:$0x3FAE] =	sst s2  }
0xb: {  	[smem:$0x3FAF] =	sst s3  }
0xc: {  	[smem:$0x3FB0] =	sst s4  }
0xd: {  	[smem:$0x3FB1] =	sst s5  }
0xe: {  	[smem:$0x3FB2] =	sst s6  }
0xf: {  	[smem:$0x3FB3] =	sst s7  }
0x10: {  	[smem:$0x3FB4] =	sst s8  }
0x11: {  	[smem:$0x3FB5] =	sst s9;
	s0 =	simm.s32 @!p0 $0x0  }
0x12: {  	s1 =	sld [smem:$0x3F9B];
	s0 =	simm.s32 @p0 $0x1  }
0x13: {  	[smem:$0x3FB6] =	sst s0;
	s0 =	simm.s32 @!p1 $0x0  }
0x14: {  	s2 =	sld [smem:$0x3F9A];
	s0 =	simm.s32 @p1 $0x1  }
0x15: {  	[smem:$0x3FB7] =	sst s0;
	s0 =	simm.s32 @!p2 $0x0  }
0x16: {  	s3 =	sld [smem:$0x3FDB];
	s0 =	simm.s32 @p2 $0x1  }
0x17: {  	s4 =	simm.s32 $0x1BF5;
	[smem:$0x3FB9] =	sst s0  }
0x18: {  	s0 =	sld [smem:$0x3F9C];
	_ =	swait.ge [sflag:s4], $0x0  }
0x19: {  	s7 =	sld [smem:$0x3F9D]  }
0x1a: {  	s8 =	sadd.s32 $0xFFFFE003, lr  }
0x1b: {  	s9 =	sadd.s32 $0xFFFFFEF7, lr;
	s5 =	simm.s32 $0xFFFFFFFF;
	p2 =	slt.u32 s8, $0xFFFFF086  }
0x1c: {  	p1 =	slt.u32 s9, $0xF7A;
	s5 =	simm.s32 @!p2 $0x0  }
0x1d: {  	s5 =	simm.s32 @p1 $0x1;
	p0 =	seq.s32 s7, s2  }
0x1e: {  	s7 =	smul.u32 @!p0 $0xF7A, s2;
	p2 =	seq.s32 @!p0 s5, $0x0  }
0x1f: {  	s9 =	smul.u32 $0xF7A, s1;
	s8 =	simm.s32 @!p0 $0x1BF5;
	p2 =	por !p2, p0  }
0x20: {  	[sflag:s8] =	ssyncset.s32 @!p0 $0xFFFFF086;
	s6 =	sadd.s32 @!p0 s3, s7;
	s7 =	simm.s32 @!p0 $0x108  }
0x21: {  	s3 =	sadd.s32 s3, s9;
	s6 =	sadd.s32 @!p0 $0x88, s6;
	s7 =	simm.s32 @p2 $0x1082  }
0x22: {  	[simem:s7], [sflag:s8] =	dma.local @!p0 [hbm:s6], $0xF7A  }
0x23: {  	s9 =	sor.u32 $0xD0000000, s2;
	s6 =	simm.s32 $0x108;
	_ =	swait.ge @!p0 [sflag:s8], $0x0  }
0x24: {  	s3 =	sadd.s32 $0x88, s3;
	s6 =	simm.s32 @!p1 $0x1082;
	[sflag:s4] =	ssyncset.s32 $0xFFFFF086  }
0x25: {  	[simem:s6], [sflag:s4] =	dma.local [hbm:s3], $0xF7A  }
0x26: {  	[smem:$0x3F9D] =	sst s1;
	(tag) =	ssettag s2;
	_ =	strace s9  }
0x27: {  	s1 =	sld [smem:$0x3FAD]  }
0x28: {  	s2 =	sld [smem:$0x3FAE]  }
0x29: {  	s4 =	sld [smem:$0x3FB0]  }
0x2a: {  	p0 =	seq.s32 s5, $0x0;
	s5 =	sld [smem:$0x3FB1]  }
0x2b: {  	s6 =	sld [smem:$0x3FB2]  }
0x2c: {  	s7 =	sld [smem:$0x3FB3]  }
0x2d: {  	s3 =	simm.s32 $0x108;
	s8 =	sld [smem:$0x3FB4]  }
0x2e: {  	s3 =	simm.s32 @!p0 $0x1082;
	s9 =	sld [smem:$0x3FB5]  }
0x2f: {  	lr =	sadd.s32 s0, s3;
	s0 =	sld [smem:$0x3FAC]  }
0x30: {  	s3 =	sld [smem:$0x3FAF]  }
0x31: {  	[smem:$0x3FB8] =	sst s10  }
0x32: {  	s10 =	sld [smem:$0x3FB6];
	_ =	sdelay $0x3  }
0x33: {  	p0 =	seq.s32 s10, $0x1;
	s10 =	sld [smem:$0x3FB8];
	_ =	sdelay $0x3  }
0x34: {  	[smem:$0x3FB8] =	sst s10  }
0x35: {  	s10 =	sld [smem:$0x3FB7];
	_ =	sdelay $0x3  }
0x36: {  	p1 =	seq.s32 s10, $0x1;
	s10 =	sld [smem:$0x3FB8];
	_ =	sdelay $0x3  }
0x37: {  	[smem:$0x3FB8] =	sst s10  }
0x38: {  	s10 =	sld [smem:$0x3FB9]  }
0x39: {  	_ = 	snop;
	(pc) =	sbr.ind lr, $3  }
0x3a: {  	_ = 	snop  }
0x3b: {  	_ = 	snop  }
0x3c: {  	p2 =	seq.s32 s10, $0x1;
	s10 =	sld [smem:$0x3FB8]  }
0x3d: {  	_ =	shalt  }
0x3e: {  	_ =	shalt  }
0x3f: {  	_ =	shalt  }
0x40: {  	_ =	shalt  }
0x41: {  	_ =	shalt  }
0x42: {  	_ =	shalt  }
0x43: {  	_ =	shalt  }
0x44: {  	_ =	shalt  }
0x45: {  	_ =	shalt  }
0x46: {  	_ =	shalt  }
0x47: {  	_ =	shalt  }
0x48: {  	_ =	shalt  }
0x49: {  	_ =	shalt  }
0x4a: {  	_ =	shalt  }
0x4b: {  	_ =	shalt  }
0x4c: {  	_ =	shalt  }
0x4d: {  	_ =	shalt  }
0x4e: {  	_ =	shalt  }
0x4f: {  	_ =	shalt  }
0x50: {  	_ =	shalt  }
0x51: {  	_ =	shalt  }
0x52: {  	_ =	shalt  }
0x53: {  	_ =	shalt  }
0x54: {  	_ =	shalt  }
0x55: {  	_ =	shalt  }
0x56: {  	_ =	shalt  }
0x57: {  	_ =	shalt  }
0x58: {  	_ =	shalt  }
0x59: {  	_ =	shalt  }
0x5a: {  	_ =	shalt  }
0x5b: {  	_ =	shalt  }
0x5c: {  	_ =	shalt  }
0x5d: {  	_ =	shalt  }
0x5e: {  	_ =	shalt  }
0x5f: {  	_ =	shalt  }
0x60: {  	_ =	shalt  }
0x61: {  	_ =	shalt  }
0x62: {  	_ =	shalt  }
0x63: {  	_ =	shalt  }
0x64: {  	_ =	shalt  }
0x65: {  	_ =	shalt  }
0x66: {  	_ =	shalt  }
0x67: {  	_ =	shalt  }
0x68: {  	_ =	shalt  }
0x69: {  	_ =	shalt  }
0x6a: {  	_ =	shalt  }
0x6b: {  	_ =	shalt  }
0x6c: {  	_ =	shalt  }
0x6d: {  	_ =	shalt  }
0x6e: {  	_ =	shalt  }
0x6f: {  	_ =	shalt  }
0x70: {  	_ =	shalt  }
0x71: {  	_ =	shalt  }
0x72: {  	_ =	shalt  }
0x73: {  	_ =	shalt  }
0x74: {  	_ =	shalt  }
0x75: {  	_ =	shalt  }
0x76: {  	_ =	shalt  }
0x77: {  	_ =	shalt  }
0x78: {  	_ =	shalt  }
0x79: {  	_ =	shalt  }
0x7a: {  	_ =	shalt  }
0x7b: {  	_ =	shalt  }
0x7c: {  	_ =	shalt  }
0x7d: {  	_ =	shalt  }
0x7e: {  	_ =	shalt  }
0x7f: {  	_ =	shalt  }
0x80: {  	_ =	shalt  }
0x81: {  	_ =	shalt  }
0x82: {  	_ =	shalt  }
0x83: {  	_ =	shalt  }
0x84: {  	_ =	shalt  }
0x85: {  	_ =	shalt  }
0x86: {  	_ =	shalt  }
0x87: {  	_ =	shalt  }
.Lfunc_end0:
.L_simem_size_0:
called_computation_lowered:
.L_overlay_start_0:
0x88: {  	s2 =	sld [smem:$0x3FD9]  }
0x89: {  	s3 =	sld [smem:$0x3FFE];
	_ =	sdelay $0x1  }
0x8a: {  	s1 =	srdreg.scid  }
0x8b: {  	s0 =	sand.u32 $0x1, s1  }
0x8c: {  	s17 =	sshll.u32 s0, $0xA;
	s2 =	sadd.s32 s3, s2  }
0x8d: {  	s2 =	sadd.s32 s2, s17  }
0x8e: {  	[smem:$0x3FC4] =	sst s2  }
0x8f: {  	_ = 	snop  }
0x90: {  	s2 =	sld [smem:$0x3FC9]  }
0x91: {  	s18 =	sld [smem:$0x3FD0];
	(tm) =	ssettm $0x1  }
0x92: {  	s4 =	sld [smem:$0x3FFB];
	_ =	sdelay $0x3  }
0x93: {  	_ =	strace s4  }
0x94: {  	s4 =	sld [smem:$0x3FFC];
	_ =	sdelay $0x3  }
0x95: {  	_ =	strace s4  }
0x96: {  	s4 =	sld [smem:$0x3FFD];
	_ =	sdelay $0x3  }
0x97: {  	_ =	strace s4  }
0x98: {  	_ =	strace $0x8FFFFFFF  }
0x99: {  	s19 =	sld [smem:$0x3FDB];
	_ =	sdelay $0x1  }
0x9a: {  	s5 =	simm.s32 $_scs_section_size  }
0x9b: {  	s6 =	simm.s32 $_size__tile_overlayer_lowered;
	s7 =	simm.s32 $_tile_overlayer_lowered  }
0x9c: {  	s22 =	simm.s32 $0x1BFF;
	s21 =	sshll.u32 s7, $0x1;
	s4 =	sadd.s32 s5, s19  }
0x9d: {  	s8 =	simm.s32 $0x0;
	s20 =	sshll.u32 s6, $0x1;
	s6 =	sadd.s32 s21, s4  }
0x9e: {  	[timem:s8], [sflag:s22] =	dma.local [hbm:s6], s20  }
0x9f: {  	_ =	swait.ge [sflag:s22], s20  }
0xa0: {  	s5 =	ssub.s32 $0x0, s20;
	[sflag:s22] =	ssyncset.done $0x0  }
0xa1: {  	[sflag:s22] =	ssyncadd.s32 s5;
	_ =	sdelay $0x1  }
0xa2: {  	s23 =	simm.s32 $0x1B8B  }
0xa3: {  	_ =	swait.ge [sflag:s23], $0x1  }
0xa4: {  	[sflag:s23] =	ssyncset.done $0x0  }
0xa5: {  	s25 =	simm.s32 $0x1B8E;
	s24 =	sld [smem:$0x3FFE];
	[sflag:s23] =	ssyncadd.s32 $0xFFFFFFFF  }
0xa6: {  	s26 =	simm.s32 $execute0_lowered;
	[smem:$0x3FD2] =	sst s25  }
0xa7: {  	s6 =	sshll.u32 s26, $0x1;
	_ =	strace $0x80000046;
	[dreg:$0x1] =	wrdreg $0xFFFFFFFF  }
0xa8: {  	s28 =	simm.s32 $_size_execute0_lowered;
	s4 =	sadd.s32 s4, s6;
	[dreg:$0x0] =	wrdreg $0x0  }
0xa9: {  	s6 =	sshll.u32 s28, $0x1;
	[dreg:$0x2] =	wrdreg s4  }
0xaa: {  	[dreg:$0x3] =	wrdreg s6  }
0xab: {  	[dreg:$0x4] =	wrdreg $0xC0  }
0xac: {  	_ =	task [dreg:s8], $0x5FFFF  }
0xad: {  	[dreg:$0x1] =	wrdreg $0xFFFFFFFF  }
0xae: {  	[dreg:$0x0] =	wrdreg $0x60  }
0xaf: {  	[dreg:$0x2] =	wrdreg s2  }
0xb0: {  	[dreg:$0x3] =	wrdreg s18  }
0xb1: {  	[dreg:$0x4] =	wrdreg s24  }
0xb2: {  	[dreg:$0x5] =	wrdreg $0x90800  }
0xb3: {  	[dreg:$0x6] =	wrdreg $0x1D0800  }
0xb4: {  	[dreg:$0x7] =	wrdreg $0x9  }
0xb5: {  	_ =	task.clear_ibuf [dreg:s8], $0x8FFFF;
	_ =	strace $0x90000046  }
0xb6: {  	s29 =	simm.s32 $0x9;
	_ =	strace $0x80000048  }
0xb7: {  	_ =	swait.ge [sflag:s29], $0x1  }
0xb8: {  	[sflag:s29] =	ssyncadd.s32 $0xFFFFFFFF  }
0xb9: {  	_ =	strace $0x90000048  }
0xba: {  	_ =	sfence  }
0xbb: {  	s30 =	sld [smem:$0x0];
	_ =	sdelay $0x2  }
0xbc: {  	s31 =	sshll.u32 s1, $0xD;
	s1 =	sshrl.u32 s1, $0x2  }
0xbd: {  	s3 =	sand.u32 $0x4000, s31;
	s1 =	sadd.s32 s1, s30  }
0xbe: {  	s0 =	sor.u32 s3, s0;
	s1 =	sshll.u32 s1, $0x11  }
0xbf: {  	s0 =	sor.u32 s1, s0  }
0xc0: {  	s0 =	sadd.s32 $0x8F2B, s0  }
0xc1: {  	[sflag:s0] =	ssyncadd.remote.s32 $0x1  }
0xc2: {  	_ =	sfence.sel $0xFFFF  }
0xc3: {  	[dreg:$0x0] =	wrdreg $0xFFFFFFFF;
	(pc) =	sbr.abs _section_cstart, $3  }
0xc4: {  	[dreg:$0x1] =	wrdreg $0xFFFFFFFF  }
0xc5: {  	_ =	task.clear_ibuf [dreg:s8], $0x2FFFF;
	_ =	strace $0x9FFFFFFF  }
0xc6: {  	(tm) =	ssettm $0x7FFFFFFF  }
0xc7: {  	_ =	shalt  }
tec
execute0_lowered:
.L_overlay_start_1:
0x0: {  	(tag) =	ssettag $0x1  }
0x1: {  	s1 =	rddreg [dreg:$0x0]  }
0x2: {  	s10 =	rddreg [dreg:$0x1]  }
0x3: {  	s8 =	rddreg [dreg:$0x2]  }
0x4: {  	s3 =	rddreg [dreg:$0x3]  }
0x5: {  	s0 =	srdreg.scid;
	s4 =	rddreg [dreg:$0x4]  }
0x6: {  	s5 =	simm.s32 $0x0;
	s7 =	sand.u32 $0x1, s0;
	s0 =	stileid.u32  }
0x7: {  	s20 =	simm.s32 $0x80;
	s21 =	simm.s32 $0x5000;
	s6 =	smul.u32 $0x14000, s0  }
0x8: {  	s22 =	simm.s32 $0x1;
	s23 =	simm.s32 $0x2;
	s9 =	smul.u32 $0x280, s0  }
0x9: {  	s24 =	simm.s32 $0x0;
	[smem:$0x7FF] =	sst s5;
	s13 =	smul.u32 $0x140000, s7  }
0xa: {  	s2 =	sshll.u32 s7, $0x4;
	s16 =	smul.u32 $0x2800, s7;
	s7 =	ssub.s32 $0x2, s7  }
0xb: {  	s17 =	smul.u32 $0x50000, s0;
	s31 =	sshll.u32 s0, $0x6;
	s2 =	sor.u32 s0, s2  }
0xc: {  	s18 =	sshrl.u32 s7, $0x1;
	s11 =	smul.u32 $0x500, s2;
	s2 =	rddreg [dreg:$0x5]  }
0xd: {  	s12 =	sshrl.u32 s6, $0x3;
	_ =	strace $0x80000047;
	s15 =	sshrl.u32 s9, $0x3  }
0xe: {  	s13 =	sadd.s32 s6, s13;
	s6 =	sadd.s32 $0xAE00, s8;
	s16 =	sadd.s32 s9, s16  }
0xf: {  	s18 =	ssub.s32 s7, s18;
	s30 =	sshrl.u32 s17, $0x2;
	s19 =	sadd.s32 s9, s4  }
0x10: {  	s12 =	sadd.s32 s12, s8;
	s15 =	sadd.s32 s15, s8;
	s13 =	sshrl.u32 s13, $0x3  }
0x11: {  	s16 =	sshrl.u32 s16, $0x3;
	s17 =	sadd.s32 s30, s3;
	s14 =	sadd.s32 s11, s8  }
0x12: {  	s13 =	sadd.s32 s13, s8;
	s16 =	sadd.s32 s16, s8;
	s7 =	sadd.s32 $0xB600, s12  }
0x13: {  	s8 =	sor.u32 $0x1C03, s31;
	s9 =	sadd.s32 $0xB000, s15;
	s10 =	sadd.s32 s10, s11  }
0x14: {  	s15 =	sshrl.u32 s17, $0x3;
	s17 =	sshrl.u32 s19, $0x3;
	s19 =	simm.s32 $0x9000  }
0x15: {  	s11 =	sadd.s32 $0xE00, s14;
	s12 =	sadd.s32 $0x34000, s13;
	s13 =	sadd.s32 $0x33600, s16  }
0x16: {  	s14 =	smax.u32 s18, $0x1;
	s16 =	simm.s32 $0x3;
	s18 =	simm.s32 $0x2800  }
.LBB2_1:
0x17: {  	[spmem:s15], [sflag:s8] =	dma.local [hbm:s7], $0x2800  }
0x18: {  	_ =	swait.ge [sflag:s16], $0x2800  }
0x19: {  	[sflag:s16] =	ssyncset.done $0x0  }
0x1a: {  	[sflag:s16] =	ssyncadd.s32 $0xFFFFD800  }
0x1b: {  	[spmem:s17], [sflag:s8] =	dma.local [hbm:s9], $0x50  }
0x1c: {  	_ =	swait.ge [sflag:s16], $0x50  }
0x1d: {  	[sflag:s16] =	ssyncset.done $0x0  }
0x1e: {  	[sflag:s16] =	ssyncadd.s32 $0xFFFFFFB0  }
0x1f: {  	[tilespmem:s5], [sflag:$0x3] =	stream.linear.gather [hbm4b:s10+s5], $0x2780, $0x38;
	[tilespmem:$0x1D300] =	vst v63  }
0x20: {  	_ =	swait.ge [sflag:s16], $0x2780  }
0x21: {  	[sflag:s16] =	ssyncset.done $0x0  }
0x22: {  	[sflag:s16] =	ssyncadd.s32 $0xFFFFD880  }
0x23: {  	[tilespmem:s18], [sflag:$0x3] =	stream.linear.gather [hbm4b:s11+s5], $0x2780, $0x38;
	[tilespmem:$0x1D300] =	vst v63  }
0x24: {  	_ =	swait.ge [sflag:s16], $0x2780  }
0x25: {  	[sflag:s16] =	ssyncset.done $0x0  }
0x26: {  	[sflag:s16] =	ssyncadd.s32 $0xFFFFD880  }
0x27: {  	[tilespmem:s19], [sflag:$0x3] =	stream.linear.gather [hbm4b:s6+s5], $0x80, $0x38;
	[tilespmem:$0x1D300] =	vst v63  }
0x28: {  	_ =	swait.ge [sflag:s16], $0x80  }
0x29: {  	[sflag:s16] =	ssyncset.done $0x0  }
0x2a: {  	[sflag:s16] =	ssyncadd.s32 $0xFFFFFF80  }
0x2b: {  	s25 =	simm.s32 $0x0;
	[bflag:$0x0] =	sbarrier.arrive $0xFFFF  }
0x2c: {  	[tilespmem:s21], [sflag:$0x1] =	stream.indirect.gather [hbm4b:s1+s20], $0x80, s25, s20, $0xb8;
	[tilespmem:$0x1D300] =	vst v63  }
0x2d: {  	_ =	swait.ge [sflag:s22], $0x4000  }
0x2e: {  	[sflag:s22] =	ssyncset.done $0x0  }
0x2f: {  	s26 =	simm.s32 $0x2800;
	[sflag:s22] =	ssyncadd.s32 $0xFFFFC000  }
0x30: {  	[spmem:s3] =	stream.indirect.scatter.add.f32 [tilespmem:s21], [sflag:$0x3], $0x80, s26, s20, $0xb8;
	[tilespmem:$0x1D300] =	vst v63  }
0x31: {  	_ =	swait.ge [sflag:s16], $0x4000  }
0x32: {  	[sflag:s16] =	ssyncset.done $0x0  }
0x33: {  	s25 =	simm.s32 $0x200;
	[sflag:s16] =	ssyncadd.s32 $0xFFFFC000  }
.LBB2_2:
0x34: {  	[spmem:s4] =	stream.indirect.scatter.add.f32 [tilespmem:s19], [sflag:$0x2], $0x1, s26, s20, $0xb8;
	[tilespmem:$0x1D300] =	vst v63  }
0x35: {  	s26 =	sshra.s32 s25, $0x2;
	p0 =	sne.s32 s25, $0x9C00;
	s25 =	sadd.s32 $0x200, s25  }
0x36: {  	[tilespmem:s21], [sflag:$0x1] =	stream.indirect.gather [hbm4b:s1+s20], $0x80, s26, s20, $0xb8;
	[tilespmem:$0x1D300] =	vst v63  }
0x37: {  	_ =	swait.ge [sflag:s22], $0x4000  }
0x38: {  	[sflag:s22] =	ssyncset.done $0x0  }
.Ltmp0:
0x39: {  	s26 =	sadd.s32 $0x2800, s26;
	[sflag:s22] =	ssyncadd.s32 $0xFFFFC000;
	(pc) =	sbr.rel @p0 .LBB2_2-.Ltmp0, $4  }
0x3a: {  	[spmem:s3] =	stream.indirect.scatter.add.f32 [tilespmem:s21], [sflag:$0x3], $0x80, s26, s20, $0xb8;
	[tilespmem:$0x1D300] =	vst v63  }
0x3b: {  	_ =	swait.ge [sflag:s16], $0x4000  }
0x3c: {  	[sflag:s16] =	ssyncset.done $0x0  }
0x3d: {  	[sflag:s16] =	ssyncadd.s32 $0xFFFFC000  }
0x3e: {  	[spmem:s4] =	stream.indirect.scatter.add.f32 [tilespmem:s19], [sflag:$0x2], $0x1, s26, s20, $0xb8;
	[tilespmem:$0x1D300] =	vst v63  }
0x3f: {  	_ =	swait.ge [sflag:s23], $0x2780  }
0x40: {  	[sflag:s23] =	ssyncset.done $0x0  }
0x41: {  	[sflag:s23] =	ssyncadd.s32 $0xFFFFD880  }
0x42: {  	[bflag:$0x0] =	sbarrier.arrive $0xFFFF  }
0x43: {  	[hbm:s12], [sflag:s8] =	dma.local [spmem:s15], $0x2800  }
0x44: {  	s24 =	sadd.s32 $0x1, s24;
	_ =	swait.ge [sflag:s16], $0x2800  }
0x45: {  	p0 =	sne.s32 s24, s14;
	[sflag:s16] =	ssyncset.done $0x0  }
.Ltmp1:
0x46: {  	[sflag:s16] =	ssyncadd.s32 $0xFFFFD800;
	(pc) =	sbr.rel @p0 .LBB2_1-.Ltmp1, $4  }
0x47: {  	[hbm:s13], [sflag:s8] =	dma.local [spmem:s17], $0x50  }
0x48: {  	_ =	swait.ge [sflag:s16], $0x50  }
0x49: {  	[sflag:s16] =	ssyncset.done $0x0  }
0x4a: {  	[sflag:s16] =	ssyncadd.s32 $0xFFFFFFB0  }
0x4b: {  	_ =	sfence.sel $0x180000  }
0x4c: {  	[bflag:$0x0] =	sbarrier.arrive $0xFFFF  }
0x4d: {  	p0 =	sne.s32 s0, $0x0;
	_ =	strace $0x90000047  }
0x4e: {  	s0 =	sadd.s32 @!p0 $0x100000, s2;
	[bflag:$0x2] =	sbarrier.arrive $0xFFFF  }
0x4f: {  	[sflag:s0] =	ssyncadd.tile.s32 @!p0 $0x1;
	_ =	shalt  }
.Lfunc_end2:
_tile_overlayer_lowered:
.L_overlay_start_2:
0x50: {  	(tag) =	ssettag $0x2  }
0x51: {  	s0 =	rddreg [dreg:$0x0];
	s2 =	stileid.u32  }
0x52: {  	s1 =	rddreg [dreg:$0x1];
	p0 =	sne.s32 s2, $0x0  }
0x53: {  	s3 =	rddreg [dreg:$0x2];
	[bflag:$0x3] =	sbarrier.arrive $0xFFFF;
	s2 =	simm.s32 @!p0 $0x1C03  }
0x54: {  	[timem:s3], [sflag:s2] =	dma.local @!p0 [hbm:s0], s1  }
0x55: {  	s0 =	simm.s32 @!p0 $0x3  }
0x56: {  	_ =	swait.ge @!p0 [sflag:s0], s1  }
0x57: {  	s1 =	ssub.s32 @!p0 $0x0, s1;
	[sflag:s0] =	ssyncset.done @!p0 $0x0  }
0x58: {  	[sflag:s0] =	ssyncadd.s32 @!p0 s1  }
0x59: {  	[bflag:$0x3] =	sbarrier.arrive $0xFFFF  }
0x5a: {  	_ =	shalt  }

</sc_bundles>
